<compile_context>
chip_gen: v7x
topology: tpu7x:2x2x1
jax: 0.10.2.dev20260603
libtpu: 0.0.44.dev20260713+nightly
codegen_flags: <defaults>
</compile_context>

<pallas_src>
import functools

import jax
import jax.numpy as jnp
from jax import lax
from jax.experimental import pallas as pl
from jax.experimental.pallas import tpu as pltpu
from jax.experimental.pallas import tpu_sc as plsc

BETA = 0.25

N = 8192
K = 8192
D = 64
BLK = 1024
NGRID = N // BLK

NC = 2
NS = 16
NW = NC * NS
B_PER_W = N // NW
CHUNK = 128


CSEG = 4096
NSEG = K // CSEG


def _dist_argmin_body(zf_ref, zf2_ref, cb_ref, cb2_ref, idx_ref, loss_ref):
    i = pl.program_id(0)
    zfb = zf_ref[...]
    mm = lax.dot_general(zfb, cb_ref[...], (((1,), (1,)), ((), ())))
    d = (zf2_ref[...] - 2.0 * mm) + cb2_ref[...]
    acc_v = jnp.full((BLK, 1), jnp.inf, jnp.float32)
    acc_i = jnp.zeros((BLK, 1), jnp.int32)
    acc_d = jnp.zeros((BLK, 1), jnp.float32)
    for c in range(NSEG):
        dc = d[:, c * CSEG:(c + 1) * CSEG]
        m = jnp.min(dc, axis=1, keepdims=True)
        ii = lax.broadcasted_iota(jnp.int32, dc.shape, 1) + jnp.int32(c * CSEG)
        i_c = jnp.min(jnp.where(dc == m, ii, jnp.int32(K)), axis=1,
                      keepdims=True)
        keep = (acc_v < m) | ((acc_v == m) & (acc_i < i_c))
        acc_d = jnp.where(keep, acc_d, m)
        acc_i = jnp.where(keep, acc_i, i_c)
        acc_v = jnp.where(keep, acc_v, m).astype(jnp.bfloat16).astype(
            jnp.float32)
    idx_ref[0, 0, :] = acc_i[:, 0]

    @pl.when(i == 0)
    def _():
        loss_ref[...] = jnp.zeros_like(loss_ref)

    loss_ref[...] += jnp.sum(acc_d).reshape(1, 1)


def _dist_argmin(zf, zf2, cb, cb2):
    return pl.pallas_call(
        _dist_argmin_body,
        grid=(NGRID,),
        in_specs=[
            pl.BlockSpec((BLK, D), lambda i: (i, 0)),
            pl.BlockSpec((BLK, 1), lambda i: (i, 0)),
            pl.BlockSpec((K, D), lambda i: (0, 0)),
            pl.BlockSpec((1, K), lambda i: (0, 0)),
        ],
        out_specs=[
            pl.BlockSpec((1, 1, BLK), lambda i: (i, 0, 0)),
            pl.BlockSpec((1, 1), lambda i: (0, 0)),
        ],
        out_shape=[
            jax.ShapeDtypeStruct((NGRID, 1, BLK), jnp.int32),
            jax.ShapeDtypeStruct((1, 1), jnp.float32),
        ],
        compiler_params=pltpu.CompilerParams(
            dimension_semantics=("arbitrary",),
        ),
    )(zf, zf2, cb, cb2)


DPAD = 128


@functools.cache
def _make_sc_gather():
    @functools.partial(
        pl.kernel,
        mesh=plsc.VectorSubcoreMesh(core_axis_name="c", subcore_axis_name="s"),
        out_type=jax.ShapeDtypeStruct((N, DPAD), jnp.float32),
        scratch_types=[
            pltpu.VMEM((B_PER_W // CHUNK, CHUNK), jnp.int32),
            pltpu.VMEM((B_PER_W, DPAD), jnp.float32),
            pltpu.SemaphoreType.DMA,
        ],
    )
    def _sc_gather(table_hbm, idx_hbm, out_hbm, idx_v, rows_v, sem):
        wid = lax.axis_index("s") * NC + lax.axis_index("c")
        nrow = B_PER_W // CHUNK
        pltpu.sync_copy(idx_hbm.at[pl.ds(wid * nrow, nrow)], idx_v)
        copies = [
            pltpu.async_copy(
                table_hbm.at[idx_v.at[j]],
                rows_v.at[pl.ds(j * CHUNK, CHUNK)],
                sem,
            )
            for j in range(nrow)
        ]
        for c in copies:
            c.wait()
        pltpu.sync_copy(rows_v, out_hbm.at[pl.ds(wid * B_PER_W, B_PER_W)])

    return _sc_gather


def kernel(z, codebook):
    Bz, C, H, W = z.shape
    zf = jnp.transpose(z, (0, 2, 3, 1)).reshape(-1, C)
    zf2 = jnp.sum(zf * zf, axis=1, keepdims=True)
    cb2 = jnp.sum(codebook * codebook, axis=1)[None, :]

    idx3, loss_sum = _dist_argmin(zf, zf2, codebook, cb2)
    idx = idx3.reshape(N)

    cb_pad = jnp.pad(codebook, ((0, 0), (0, DPAD - D)))
    zq = _make_sc_gather()(cb_pad, idx.reshape(N // CHUNK, CHUNK))[:, :D]

    loss = (loss_sum[0, 0] / (N * D)) * (1.0 + BETA)
    zq_out = jnp.transpose(zq.reshape(Bz, H, W, C), (0, 3, 1, 2))
    return zq_out, loss, idx

# --- scband reference (transcript-rebuilt; emitter-appended) ---
"""Pipeline reference for scband-vqvae-61143154426546 (READ-ONLY COPY).

The authoritative reference and input builder live on the scoring server;
editing this copy changes nothing except your own understanding.
"""

import jax, jax.numpy as jnp
import numpy as np

BETA = 0.25

def setup_inputs(seed: int = 0) -> dict:
    key = jax.random.key(seed)
    k1, k2 = jax.random.split(key)
    z = jax.random.normal(k1, (8, 64, 32, 32), dtype=jnp.float32)
    codebook = jax.random.normal(k2, (8192, 64), dtype=jnp.float32) * 0.02
    return {"z": z, "codebook": codebook}

def reference(z, codebook):
    # VectorQuantizer forward (core of the VQVAE codebook path).
    B, C, H, W = z.shape
    # rearrange 'b c h w -> (b h w) c'
    zf = jnp.transpose(z, (0, 2, 3, 1)).reshape(-1, C)
    # squared L2 distances to every codebook entry
    d = (jnp.sum(zf * zf, axis=1, keepdims=True)
         - 2.0 * (zf @ codebook.T)
         + jnp.sum(codebook * codebook, axis=1)[None, :])
    idx = jnp.argmin(d, axis=1)
    zq = jnp.take(codebook, idx, axis=0)
    # VQ losses
    commitment_loss = jnp.mean((jax.lax.stop_gradient(zq) - zf) ** 2)
    codebook_loss = jnp.mean((zq - jax.lax.stop_gradient(zf)) ** 2)
    loss = codebook_loss + BETA * commitment_loss
    # straight-through estimator
    zq_st = zf + jax.lax.stop_gradient(zq - zf)
    zq_out = jnp.transpose(zq_st.reshape(B, H, W, C), (0, 3, 1, 2))
    return zq_out, loss, idx

if __name__ == "__main__":
    import jax
    _d = setup_inputs()
    print(jax.jit(kernel)(*tuple(_d.values())))

</pallas_src>

<mosaic_0001>
#map = affine_map<(d0, d1) -> (0, 0)>
module attributes {stable_mosaic.version = 14 : i64} {
  func.func @_sc_gather(%arg0: i32, %arg1: i32, %arg2: memref<8192x128xf32, #tpu.memory_space<hbm>>, %arg3: memref<64x128xi32, #tpu.memory_space<hbm>>, %arg4: memref<8192x128xf32, #tpu.memory_space<hbm>>, %arg5: memref<2x128xi32, #tpu.memory_space<vmem>>, %arg6: memref<256x128xf32, #tpu.memory_space<vmem>>, %arg7: memref<!tpu.dma_semaphore, #tpu.memory_space<semaphore_mem>>) attributes {dimension_semantics = [#tpu.dimension_semantics<core_parallel>, #tpu.dimension_semantics<subcore_parallel>], iteration_bounds = array<i64: 2, 16>, scalar_prefetch = 0 : i64, scratch_operands = 3 : i64, tpu.core_type = #tpu.core_type<sc_vector_subcore>, window_params = [{transform_indices = #map}, {transform_indices = #map}, {transform_indices = #map}]} {
    %mul3A = arith.constant 2 : i32
    %mul3A_0 = arith.muli %arg1, %mul3A : i32
    %add3A = arith.addi %mul3A_0, %arg0 : i32
    %mul3A_1 = arith.constant 2 : i32
    %mul3A_2 = arith.muli %add3A, %mul3A_1 : i32
    "tpu.region"() ({
      %run_scoped3A = tpu.sem_alloc : memref<!tpu.dma_semaphore, #tpu.memory_space<semaphore_mem>>
      %dma_start3A_43 = arith.constant 0 : i32
      %dma_start3A_44 = tpu.memref_slice %arg3[%mul3A_2, %dma_start3A_43] : memref<64x128xi32, #tpu.memory_space<hbm>> -> memref<2x128xi32, #tpu.memory_space<hbm>>
      %dma_start3A_45 = arith.constant 0 : i32
      %dma_start3A_46 = tpu.memref_slice %arg3[%mul3A_2, %dma_start3A_45] : memref<64x128xi32, #tpu.memory_space<hbm>> -> memref<2x128xi32, #tpu.memory_space<hbm>>
      tpu.enqueue_dma source(%dma_start3A_46 : memref<2x128xi32, #tpu.memory_space<hbm>>) target(%arg5 : memref<2x128xi32, #tpu.memory_space<vmem>>) target_semaphore(%run_scoped3A : memref<!tpu.dma_semaphore, #tpu.memory_space<semaphore_mem>>)
      %dma_wait3A_47 = arith.constant 0 : i32
      %dma_wait3A_48 = tpu.memref_slice %arg3[%mul3A_2, %dma_wait3A_47] : memref<64x128xi32, #tpu.memory_space<hbm>> -> memref<2x128xi32, #tpu.memory_space<hbm>>
      %dma_wait3A_49 = arith.constant 0 : i32
      %dma_wait3A_50 = tpu.memref_slice %arg3[%mul3A_2, %dma_wait3A_49] : memref<64x128xi32, #tpu.memory_space<hbm>> -> memref<2x128xi32, #tpu.memory_space<hbm>>
      tpu.wait_dma2 semaphore(%run_scoped3A : memref<!tpu.dma_semaphore, #tpu.memory_space<semaphore_mem>>) src(%dma_wait3A_50 : memref<2x128xi32, #tpu.memory_space<hbm>>) dst(%arg5 : memref<2x128xi32, #tpu.memory_space<vmem>>)
      tpu.yield
    }) : () -> ()
    %dma_start3A = arith.constant 0 : i32
    %dma_start3A_3 = arith.constant 0 : i32
    %dma_start3A_4 = arith.constant 0 : i32
    %dma_start3A_5 = tpu.memref_slice %arg6[%dma_start3A_3, %dma_start3A_4] : memref<256x128xf32, #tpu.memory_space<vmem>> -> memref<128x128xf32, #tpu.memory_space<vmem>>
    %dma_start3A_6 = arith.constant 0 : i32
    %dma_start3A_7 = tpu.memref_slice %arg5[%dma_start3A, %dma_start3A_6] : memref<2x128xi32, #tpu.memory_space<vmem>> -> memref<1x128xi32, #tpu.memory_space<vmem>>
    %dma_start3A_8 = tpu.memref_squeeze %dma_start3A_7 : memref<1x128xi32, #tpu.memory_space<vmem>> -> memref<128xi32, #tpu.memory_space<vmem>>
    %dma_start3A_9 = arith.constant 0 : i32
    %dma_start3A_10 = arith.constant 0 : i32
    %dma_start3A_11 = tpu.memref_slice %arg2[%dma_start3A_9, %dma_start3A_10] : memref<8192x128xf32, #tpu.memory_space<hbm>> -> memref<8192x128xf32, #tpu.memory_space<hbm>>
    tpu.enqueue_indirect_dma source(%dma_start3A_11 : memref<8192x128xf32, #tpu.memory_space<hbm>>) target(%dma_start3A_5 : memref<128x128xf32, #tpu.memory_space<vmem>>) offsets(%dma_start3A_8 : memref<128xi32, #tpu.memory_space<vmem>>) semaphore(%arg7 : memref<!tpu.dma_semaphore, #tpu.memory_space<semaphore_mem>>)
    %dma_start3A_12 = arith.constant 1 : i32
    %dma_start3A_13 = arith.constant 128 : i32
    %dma_start3A_14 = arith.constant 0 : i32
    %dma_start3A_15 = tpu.memref_slice %arg6[%dma_start3A_13, %dma_start3A_14] : memref<256x128xf32, #tpu.memory_space<vmem>> -> memref<128x128xf32, #tpu.memory_space<vmem>>
    %dma_start3A_16 = arith.constant 0 : i32
    %dma_start3A_17 = tpu.memref_slice %arg5[%dma_start3A_12, %dma_start3A_16] : memref<2x128xi32, #tpu.memory_space<vmem>> -> memref<1x128xi32, #tpu.memory_space<vmem>>
    %dma_start3A_18 = tpu.memref_squeeze %dma_start3A_17 : memref<1x128xi32, #tpu.memory_space<vmem>> -> memref<128xi32, #tpu.memory_space<vmem>>
    %dma_start3A_19 = arith.constant 0 : i32
    %dma_start3A_20 = arith.constant 0 : i32
    %dma_start3A_21 = tpu.memref_slice %arg2[%dma_start3A_19, %dma_start3A_20] : memref<8192x128xf32, #tpu.memory_space<hbm>> -> memref<8192x128xf32, #tpu.memory_space<hbm>>
    tpu.enqueue_indirect_dma source(%dma_start3A_21 : memref<8192x128xf32, #tpu.memory_space<hbm>>) target(%dma_start3A_15 : memref<128x128xf32, #tpu.memory_space<vmem>>) offsets(%dma_start3A_18 : memref<128xi32, #tpu.memory_space<vmem>>) semaphore(%arg7 : memref<!tpu.dma_semaphore, #tpu.memory_space<semaphore_mem>>)
    %dma_wait3A = arith.constant 0 : i32
    %dma_wait3A_22 = arith.constant 0 : i32
    %dma_wait3A_23 = arith.constant 0 : i32
    %dma_wait3A_24 = tpu.memref_slice %arg6[%dma_wait3A_22, %dma_wait3A_23] : memref<256x128xf32, #tpu.memory_space<vmem>> -> memref<128x128xf32, #tpu.memory_space<vmem>>
    %dma_wait3A_25 = arith.constant 0 : i32
    %dma_wait3A_26 = tpu.memref_slice %arg5[%dma_wait3A, %dma_wait3A_25] : memref<2x128xi32, #tpu.memory_space<vmem>> -> memref<1x128xi32, #tpu.memory_space<vmem>>
    %dma_wait3A_27 = tpu.memref_squeeze %dma_wait3A_26 : memref<1x128xi32, #tpu.memory_space<vmem>> -> memref<128xi32, #tpu.memory_space<vmem>>
    %dma_wait3A_28 = arith.constant 0 : i32
    %dma_wait3A_29 = arith.constant 0 : i32
    %dma_wait3A_30 = tpu.memref_slice %arg2[%dma_wait3A_28, %dma_wait3A_29] : memref<8192x128xf32, #tpu.memory_space<hbm>> -> memref<8192x128xf32, #tpu.memory_space<hbm>>
    tpu.wait_indirect_dma semaphore(%arg7 : memref<!tpu.dma_semaphore, #tpu.memory_space<semaphore_mem>>) src(%dma_wait3A_30 : memref<8192x128xf32, #tpu.memory_space<hbm>>) dst(%dma_wait3A_24 : memref<128x128xf32, #tpu.memory_space<vmem>>)
    %dma_wait3A_31 = arith.constant 1 : i32
    %dma_wait3A_32 = arith.constant 128 : i32
    %dma_wait3A_33 = arith.constant 0 : i32
    %dma_wait3A_34 = tpu.memref_slice %arg6[%dma_wait3A_32, %dma_wait3A_33] : memref<256x128xf32, #tpu.memory_space<vmem>> -> memref<128x128xf32, #tpu.memory_space<vmem>>
    %dma_wait3A_35 = arith.constant 0 : i32
    %dma_wait3A_36 = tpu.memref_slice %arg5[%dma_wait3A_31, %dma_wait3A_35] : memref<2x128xi32, #tpu.memory_space<vmem>> -> memref<1x128xi32, #tpu.memory_space<vmem>>
    %dma_wait3A_37 = tpu.memref_squeeze %dma_wait3A_36 : memref<1x128xi32, #tpu.memory_space<vmem>> -> memref<128xi32, #tpu.memory_space<vmem>>
    %dma_wait3A_38 = arith.constant 0 : i32
    %dma_wait3A_39 = arith.constant 0 : i32
    %dma_wait3A_40 = tpu.memref_slice %arg2[%dma_wait3A_38, %dma_wait3A_39] : memref<8192x128xf32, #tpu.memory_space<hbm>> -> memref<8192x128xf32, #tpu.memory_space<hbm>>
    tpu.wait_indirect_dma semaphore(%arg7 : memref<!tpu.dma_semaphore, #tpu.memory_space<semaphore_mem>>) src(%dma_wait3A_40 : memref<8192x128xf32, #tpu.memory_space<hbm>>) dst(%dma_wait3A_34 : memref<128x128xf32, #tpu.memory_space<vmem>>)
    %mul3A_41 = arith.constant 256 : i32
    %mul3A_42 = arith.muli %add3A, %mul3A_41 : i32
    "tpu.region"() ({
      %run_scoped3A = tpu.sem_alloc : memref<!tpu.dma_semaphore, #tpu.memory_space<semaphore_mem>>
      %dma_start3A_43 = arith.constant 0 : i32
      %dma_start3A_44 = tpu.memref_slice %arg4[%mul3A_42, %dma_start3A_43] : memref<8192x128xf32, #tpu.memory_space<hbm>> -> memref<256x128xf32, #tpu.memory_space<hbm>>
      %dma_start3A_45 = arith.constant 0 : i32
      %dma_start3A_46 = tpu.memref_slice %arg4[%mul3A_42, %dma_start3A_45] : memref<8192x128xf32, #tpu.memory_space<hbm>> -> memref<256x128xf32, #tpu.memory_space<hbm>>
      tpu.enqueue_dma source(%arg6 : memref<256x128xf32, #tpu.memory_space<vmem>>) target(%dma_start3A_46 : memref<256x128xf32, #tpu.memory_space<hbm>>) target_semaphore(%run_scoped3A : memref<!tpu.dma_semaphore, #tpu.memory_space<semaphore_mem>>)
      %dma_wait3A_47 = arith.constant 0 : i32
      %dma_wait3A_48 = tpu.memref_slice %arg4[%mul3A_42, %dma_wait3A_47] : memref<8192x128xf32, #tpu.memory_space<hbm>> -> memref<256x128xf32, #tpu.memory_space<hbm>>
      %dma_wait3A_49 = arith.constant 0 : i32
      %dma_wait3A_50 = tpu.memref_slice %arg4[%mul3A_42, %dma_wait3A_49] : memref<8192x128xf32, #tpu.memory_space<hbm>> -> memref<256x128xf32, #tpu.memory_space<hbm>>
      tpu.wait_dma2 semaphore(%run_scoped3A : memref<!tpu.dma_semaphore, #tpu.memory_space<semaphore_mem>>) src(%arg6 : memref<256x128xf32, #tpu.memory_space<vmem>>) dst(%dma_wait3A_50 : memref<256x128xf32, #tpu.memory_space<hbm>>)
      tpu.yield
    }) : () -> ()
    return
  }
}

module attributes {stable_mosaic.version = 14 : i64} {
  func.func @_dist_argmin_body(%arg0: i32, %arg1: memref<1024x64xf32, #tpu.memory_space<vmem>>, %arg2: memref<1024x1xf32, #tpu.memory_space<vmem>>, %arg3: memref<8192x64xf32, #tpu.memory_space<vmem>>, %arg4: memref<1x8192xf32, #tpu.memory_space<vmem>>, %arg5: memref<1x1x1024xi32, #tpu.memory_space<vmem>>, %arg6: memref<1x1xf32, #tpu.memory_space<vmem>>) attributes {dimension_semantics = [#tpu.dimension_semantics<arbitrary>], iteration_bounds = array<i64: 8>, scalar_prefetch = 0 : i64, scratch_operands = 0 : i64, tpu.core_type = #tpu.core_type<tc>, window_params = [{transform_indices = @transform_0, window_bounds = array<i64: 1024, 64>}, {transform_indices = @transform_1, window_bounds = array<i64: 1024, 1>}, {pipeline_mode = #tpu.pipeline_mode<synchronous>, transform_indices = @transform_2, window_bounds = array<i64: 8192, 64>}, {pipeline_mode = #tpu.pipeline_mode<synchronous>, transform_indices = @transform_3, window_bounds = array<i64: 1, 8192>}, {transform_indices = @transform_4, window_bounds = array<i64: 1, 1, 1024>}, {pipeline_mode = #tpu.pipeline_mode<synchronous>, transform_indices = @transform_5, window_bounds = array<i64: 1, 1>}]} {
    %get3A = arith.constant 0 : index
    %get3A_0 = arith.constant 0 : index
    %get3A_1 = vector.load %arg1[%get3A, %get3A_0] : memref<1024x64xf32, #tpu.memory_space<vmem>>, vector<1024x64xf32>
    %get3A_2 = arith.constant 0 : index
    %get3A_3 = arith.constant 0 : index
    %get3A_4 = vector.load %arg3[%get3A_2, %get3A_3] : memref<8192x64xf32, #tpu.memory_space<vmem>>, vector<8192x64xf32>
    %dot_general3A = arith.constant dense<0.000000e+00> : vector<1024x8192xf32>
    %dot_general3A_5 = tpu.matmul %get3A_1, %get3A_4, %dot_general3A {dimension_numbers = #tpu.dot_dimension_numbers<[1], [1], [0], [0], [0, 0, 1, 0], [], []>, transpose_lhs_hint = false} : vector<1024x64xf32>, vector<8192x64xf32>, vector<1024x8192xf32> -> vector<1024x8192xf32>
    %get3A_6 = arith.constant 0 : index
    %get3A_7 = arith.constant 0 : index
    %get3A_8 = vector.load %arg2[%get3A_6, %get3A_7] : memref<1024x1xf32, #tpu.memory_space<vmem>>, vector<1024x1xf32>
    %mul3A = arith.constant 2.000000e+00 : f32
    %mul3A_9 = vector.broadcast %mul3A : f32 to vector<1024x8192xf32>
    %mul3A_10 = arith.mulf %mul3A_9, %dot_general3A_5 : vector<1024x8192xf32>
    %sub3A = vector.broadcast %get3A_8 : vector<1024x1xf32> to vector<1024x8192xf32>
    %sub3A_11 = arith.subf %sub3A, %mul3A_10 : vector<1024x8192xf32>
    %get3A_12 = arith.constant 0 : index
    %get3A_13 = arith.constant 0 : index
    %get3A_14 = vector.load %arg4[%get3A_12, %get3A_13] : memref<1x8192xf32, #tpu.memory_space<vmem>>, vector<1x8192xf32>
    %add3A = vector.broadcast %get3A_14 : vector<1x8192xf32> to vector<1024x8192xf32>
    %add3A_15 = arith.addf %sub3A_11, %add3A : vector<1024x8192xf32>
    %broadcast_in_dim3A = arith.constant 0x7F800000 : f32
    %broadcast_in_dim3A_16 = vector.broadcast %broadcast_in_dim3A : f32 to vector<1024x1xf32>
    %broadcast_in_dim3A_17 = arith.constant 0 : i32
    %broadcast_in_dim3A_18 = vector.broadcast %broadcast_in_dim3A_17 : i32 to vector<1024x1xi32>
    %broadcast_in_dim3A_19 = arith.constant 0.000000e+00 : f32
    %broadcast_in_dim3A_20 = vector.broadcast %broadcast_in_dim3A_19 : f32 to vector<1024x1xf32>
    %slice3A = vector.extract_strided_slice %add3A_15 {offsets = [0, 0], sizes = [1024, 4096], strides = [1, 1]} : vector<1024x8192xf32> to vector<1024x4096xf32>
    %reduce_min3A = arith.constant dense<0x7F800000> : vector<1024xf32>
    %reduce_min3A_21 = vector.multi_reduction <minimumf>, %slice3A, %reduce_min3A [1] : vector<1024x4096xf32> to vector<1024xf32>
    %broadcast_in_dim3A_22 = vector.shape_cast %reduce_min3A_21 : vector<1024xf32> to vector<1024x1xf32>
    %iota3A = tpu.iota {dimensions = array<i32: 1>} : vector<1024x4096xi32>
    %add3A_23 = arith.constant 0 : i32
    %add3A_24 = vector.broadcast %add3A_23 : i32 to vector<1024x4096xi32>
    %add3A_25 = arith.addi %iota3A, %add3A_24 : vector<1024x4096xi32>
    %eq3A = vector.broadcast %broadcast_in_dim3A_22 : vector<1024x1xf32> to vector<1024x4096xf32>
    %eq3A_26 = arith.cmpf oeq, %slice3A, %eq3A : vector<1024x4096xf32>
    %jit3A = arith.constant 8192 : i32
    %broadcast_in_dim3A_27 = vector.broadcast %jit3A : i32 to vector<1024x4096xi32>
    %select_n3A = arith.select %eq3A_26, %add3A_25, %broadcast_in_dim3A_27 : vector<1024x4096xi1>, vector<1024x4096xi32>
    %reduce_min3A_28 = arith.constant dense<2147483647> : vector<1024xi32>
    %reduce_min3A_29 = vector.multi_reduction <minsi>, %select_n3A, %reduce_min3A_28 [1] : vector<1024x4096xi32> to vector<1024xi32>
    %broadcast_in_dim3A_30 = vector.shape_cast %reduce_min3A_29 : vector<1024xi32> to vector<1024x1xi32>
    %lt3A = arith.cmpf olt, %broadcast_in_dim3A_16, %broadcast_in_dim3A_22 : vector<1024x1xf32>
    %eq3A_31 = arith.cmpf oeq, %broadcast_in_dim3A_16, %broadcast_in_dim3A_22 : vector<1024x1xf32>
    %lt3A_32 = arith.cmpi slt, %broadcast_in_dim3A_18, %broadcast_in_dim3A_30 : vector<1024x1xi32>
    %and3A = arith.andi %eq3A_31, %lt3A_32 : vector<1024x1xi1>
    %or3A = arith.ori %lt3A, %and3A : vector<1024x1xi1>
    %select_n3A_33 = arith.select %or3A, %broadcast_in_dim3A_20, %broadcast_in_dim3A_22 : vector<1024x1xi1>, vector<1024x1xf32>
    %select_n3A_34 = arith.select %or3A, %broadcast_in_dim3A_18, %broadcast_in_dim3A_30 : vector<1024x1xi1>, vector<1024x1xi32>
    %select_n3A_35 = arith.select %or3A, %broadcast_in_dim3A_16, %broadcast_in_dim3A_22 : vector<1024x1xi1>, vector<1024x1xf32>
    %convert_element_type3A = arith.truncf %select_n3A_35 : vector<1024x1xf32> to vector<1024x1xbf16>
    %convert_element_type3A_36 = arith.extf %convert_element_type3A : vector<1024x1xbf16> to vector<1024x1xf32>
    %slice3A_37 = vector.extract_strided_slice %add3A_15 {offsets = [0, 4096], sizes = [1024, 4096], strides = [1, 1]} : vector<1024x8192xf32> to vector<1024x4096xf32>
    %reduce_min3A_38 = arith.constant dense<0x7F800000> : vector<1024xf32>
    %reduce_min3A_39 = vector.multi_reduction <minimumf>, %slice3A_37, %reduce_min3A_38 [1] : vector<1024x4096xf32> to vector<1024xf32>
    %broadcast_in_dim3A_40 = vector.shape_cast %reduce_min3A_39 : vector<1024xf32> to vector<1024x1xf32>
    %iota3A_41 = tpu.iota {dimensions = array<i32: 1>} : vector<1024x4096xi32>
    %add3A_42 = arith.constant 4096 : i32
    %add3A_43 = vector.broadcast %add3A_42 : i32 to vector<1024x4096xi32>
    %add3A_44 = arith.addi %iota3A_41, %add3A_43 : vector<1024x4096xi32>
    %eq3A_45 = vector.broadcast %broadcast_in_dim3A_40 : vector<1024x1xf32> to vector<1024x4096xf32>
    %eq3A_46 = arith.cmpf oeq, %slice3A_37, %eq3A_45 : vector<1024x4096xf32>
    %jit3A_47 = arith.constant 8192 : i32
    %broadcast_in_dim3A_48 = vector.broadcast %jit3A_47 : i32 to vector<1024x4096xi32>
    %select_n3A_49 = arith.select %eq3A_46, %add3A_44, %broadcast_in_dim3A_48 : vector<1024x4096xi1>, vector<1024x4096xi32>
    %reduce_min3A_50 = arith.constant dense<2147483647> : vector<1024xi32>
    %reduce_min3A_51 = vector.multi_reduction <minsi>, %select_n3A_49, %reduce_min3A_50 [1] : vector<1024x4096xi32> to vector<1024xi32>
    %broadcast_in_dim3A_52 = vector.shape_cast %reduce_min3A_51 : vector<1024xi32> to vector<1024x1xi32>
    %lt3A_53 = arith.cmpf olt, %convert_element_type3A_36, %broadcast_in_dim3A_40 : vector<1024x1xf32>
    %eq3A_54 = arith.cmpf oeq, %convert_element_type3A_36, %broadcast_in_dim3A_40 : vector<1024x1xf32>
    %lt3A_55 = arith.cmpi slt, %select_n3A_34, %broadcast_in_dim3A_52 : vector<1024x1xi32>
    %and3A_56 = arith.andi %eq3A_54, %lt3A_55 : vector<1024x1xi1>
    %or3A_57 = arith.ori %lt3A_53, %and3A_56 : vector<1024x1xi1>
    %select_n3A_58 = arith.select %or3A_57, %select_n3A_33, %broadcast_in_dim3A_40 : vector<1024x1xi1>, vector<1024x1xf32>
    %select_n3A_59 = arith.select %or3A_57, %select_n3A_34, %broadcast_in_dim3A_52 : vector<1024x1xi1>, vector<1024x1xi32>
    %squeeze3A = vector.shape_cast %select_n3A_59 : vector<1024x1xi32> to vector<1024xi32>
    %swap3A = arith.constant 0 : index
    %swap3A_60 = arith.constant 0 : index
    %swap3A_61 = arith.constant 0 : index
    %swap3A_62 = vector.load %arg5[%swap3A, %swap3A_60, %swap3A_61] : memref<1x1x1024xi32, #tpu.memory_space<vmem>>, vector<1x1x1024xi32>
    %swap3A_63 = vector.shape_cast %swap3A_62 : vector<1x1x1024xi32> to vector<1024xi32>
    %swap3A_64 = vector.shape_cast %squeeze3A : vector<1024xi32> to vector<1x1x1024xi32>
    tpu.vector_store %arg5[%swap3A, %swap3A_60, %swap3A_61], %swap3A_64 {strides = array<i32>} : memref<1x1x1024xi32, #tpu.memory_space<vmem>>, vector<1x1x1024xi32>,
    %eq3A_65 = arith.constant 0 : i32
    %eq3A_66 = arith.cmpi eq, %arg0, %eq3A_65 : i32
    %convert_element_type3A_67 = arith.extui %eq3A_66 : i1 to i32
    %cond3A = arith.constant 0 : i32
    %cond3A_68 = arith.cmpi ne, %convert_element_type3A_67, %cond3A : i32
    scf.if %cond3A_68 {
      %broadcast_in_dim3A_80 = arith.constant 0.000000e+00 : f32
      %broadcast_in_dim3A_81 = vector.broadcast %broadcast_in_dim3A_80 : f32 to vector<1x1xf32>
      %swap3A_82 = arith.constant 0 : index
      %swap3A_83 = arith.constant 0 : index
      %swap3A_84 = vector.load %arg6[%swap3A_82, %swap3A_83] : memref<1x1xf32, #tpu.memory_space<vmem>>, vector<1x1xf32>
      tpu.vector_store %arg6[%swap3A_82, %swap3A_83], %broadcast_in_dim3A_81 {strides = array<i32>} : memref<1x1xf32, #tpu.memory_space<vmem>>, vector<1x1xf32>,
    } else {
    }
    %get3A_69 = arith.constant 0 : index
    %get3A_70 = arith.constant 0 : index
    %get3A_71 = vector.load %arg6[%get3A_69, %get3A_70] : memref<1x1xf32, #tpu.memory_space<vmem>>, vector<1x1xf32>
    %reduce_sum3A = vector.shape_cast %select_n3A_58 : vector<1024x1xf32> to vector<1x1024x1xf32>
    %reduce_sum3A_72 = arith.constant dense<0.000000e+00> : vector<1xf32>
    %reduce_sum3A_73 = vector.multi_reduction <add>, %reduce_sum3A, %reduce_sum3A_72 [1, 2] : vector<1x1024x1xf32> to vector<1xf32>
    %reduce_sum3A_74 = vector.shape_cast %reduce_sum3A_73 : vector<1xf32> to vector<1x1x1xf32>
    %reduce_sum3A_75 = vector.extract %reduce_sum3A_74[0, 0, 0] : f32 from vector<1x1x1xf32>
    %reshape3A = vector.broadcast %reduce_sum3A_75 : f32 to vector<1x1xf32>
    %add3A_76 = arith.addf %get3A_71, %reshape3A : vector<1x1xf32>
    %swap3A_77 = arith.constant 0 : index
    %swap3A_78 = arith.constant 0 : index
    %swap3A_79 = vector.load %arg6[%swap3A_77, %swap3A_78] : memref<1x1xf32, #tpu.memory_space<vmem>>, vector<1x1xf32>
    tpu.vector_store %arg6[%swap3A_77, %swap3A_78], %add3A_76 {strides = array<i32>} : memref<1x1xf32, #tpu.memory_space<vmem>>, vector<1x1xf32>,
    return
  }
  func.func @transform_0(%arg0: i32) -> (i32, i32) {
    %c0_i32 = arith.constant 0 : i32
    %c0_i32_0 = arith.constant 0 : i32
    return %arg0, %c0_i32 : i32, i32
  }
  func.func @transform_1(%arg0: i32) -> (i32, i32) {
    %c0_i32 = arith.constant 0 : i32
    %c0_i32_0 = arith.constant 0 : i32
    return %arg0, %c0_i32 : i32, i32
  }
  func.func @transform_2(%arg0: i32) -> (i32, i32) {
    %c0_i32 = arith.constant 0 : i32
    %c0_i32_0 = arith.constant 0 : i32
    %c0_i32_1 = arith.constant 0 : i32
    return %c0_i32, %c0_i32_0 : i32, i32
  }
  func.func @transform_3(%arg0: i32) -> (i32, i32) {
    %c0_i32 = arith.constant 0 : i32
    %c0_i32_0 = arith.constant 0 : i32
    %c0_i32_1 = arith.constant 0 : i32
    return %c0_i32, %c0_i32_0 : i32, i32
  }
  func.func @transform_4(%arg0: i32) -> (i32, i32, i32) {
    %c0_i32 = arith.constant 0 : i32
    %c0_i32_0 = arith.constant 0 : i32
    %c0_i32_1 = arith.constant 0 : i32
    return %arg0, %c0_i32, %c0_i32_0 : i32, i32, i32
  }
  func.func @transform_5(%arg0: i32) -> (i32, i32) {
    %c0_i32 = arith.constant 0 : i32
    %c0_i32_0 = arith.constant 0 : i32
    %c0_i32_1 = arith.constant 0 : i32
    return %c0_i32, %c0_i32_0 : i32, i32
  }
}

</mosaic_0001>

<sc_bundles>
// kernel: kernel.4.cloned.1.call-start
scs
__scs_entry_jumppad:
0x0: {  	(pc) =	sbr.rel $0x88, $3  }
0x1: {  	(tag) =	ssettag $0x0;
	lr =	simm.s32 $0x1  }
0x2: {  	[smem:$0x3F9F] =	sst lr;
	_ =	strace $0xD0000000  }
0x3: {  	_ = 	snop  }
0x4: {  	_ = 	snop  }
0x5: {  	_ = 	snop  }
0x6: {  	_ = 	snop  }
0x7: {  	_ = 	snop  }
__scs_overlays_trampoline_lowered:
0x8: {  	[smem:$0x3FAE] =	sst s0  }
0x9: {  	[smem:$0x3FAF] =	sst s1  }
0xa: {  	[smem:$0x3FB0] =	sst s2  }
0xb: {  	[smem:$0x3FB1] =	sst s3  }
0xc: {  	[smem:$0x3FB2] =	sst s4  }
0xd: {  	[smem:$0x3FB3] =	sst s5  }
0xe: {  	[smem:$0x3FB4] =	sst s6  }
0xf: {  	[smem:$0x3FB5] =	sst s7  }
0x10: {  	[smem:$0x3FB6] =	sst s8  }
0x11: {  	[smem:$0x3FB7] =	sst s9;
	s0 =	simm.s32 @!p0 $0x0  }
0x12: {  	s1 =	sld [smem:$0x3F9D];
	s0 =	simm.s32 @p0 $0x1  }
0x13: {  	[smem:$0x3FB8] =	sst s0;
	s0 =	simm.s32 @!p1 $0x0  }
0x14: {  	s2 =	sld [smem:$0x3F9C];
	s0 =	simm.s32 @p1 $0x1  }
0x15: {  	[smem:$0x3FB9] =	sst s0;
	s0 =	simm.s32 @!p2 $0x0  }
0x16: {  	s3 =	sld [smem:$0x3FDB];
	s0 =	simm.s32 @p2 $0x1  }
0x17: {  	s4 =	simm.s32 $0x1BF5;
	[smem:$0x3FBB] =	sst s0  }
0x18: {  	s0 =	sld [smem:$0x3F9E];
	_ =	swait.ge [sflag:s4], $0x0  }
0x19: {  	s7 =	sld [smem:$0x3F9F]  }
0x1a: {  	s8 =	sadd.s32 $0xFFFFE003, lr  }
0x1b: {  	s9 =	sadd.s32 $0xFFFFFEF7, lr;
	s5 =	simm.s32 $0xFFFFFFFF;
	p2 =	slt.u32 s8, $0xFFFFF086  }
0x1c: {  	p1 =	slt.u32 s9, $0xF7A;
	s5 =	simm.s32 @!p2 $0x0  }
0x1d: {  	s5 =	simm.s32 @p1 $0x1;
	p0 =	seq.s32 s7, s2  }
0x1e: {  	s7 =	smul.u32 @!p0 $0xF7A, s2;
	p2 =	seq.s32 @!p0 s5, $0x0  }
0x1f: {  	s9 =	smul.u32 $0xF7A, s1;
	s8 =	simm.s32 @!p0 $0x1BF5;
	p2 =	por !p2, p0  }
0x20: {  	[sflag:s8] =	ssyncset.s32 @!p0 $0xFFFFF086;
	s6 =	sadd.s32 @!p0 s3, s7;
	s7 =	simm.s32 @!p0 $0x108  }
0x21: {  	s3 =	sadd.s32 s3, s9;
	s6 =	sadd.s32 @!p0 $0x88, s6;
	s7 =	simm.s32 @p2 $0x1082  }
0x22: {  	[simem:s7], [sflag:s8] =	dma.local @!p0 [hbm:s6], $0xF7A  }
0x23: {  	s9 =	sor.u32 $0xD0000000, s2;
	s6 =	simm.s32 $0x108;
	_ =	swait.ge @!p0 [sflag:s8], $0x0  }
0x24: {  	s3 =	sadd.s32 $0x88, s3;
	s6 =	simm.s32 @!p1 $0x1082;
	[sflag:s4] =	ssyncset.s32 $0xFFFFF086  }
0x25: {  	[simem:s6], [sflag:s4] =	dma.local [hbm:s3], $0xF7A  }
0x26: {  	[smem:$0x3F9F] =	sst s1;
	(tag) =	ssettag s2;
	_ =	strace s9  }
0x27: {  	s1 =	sld [smem:$0x3FAF]  }
0x28: {  	s2 =	sld [smem:$0x3FB0]  }
0x29: {  	s4 =	sld [smem:$0x3FB2]  }
0x2a: {  	p0 =	seq.s32 s5, $0x0;
	s5 =	sld [smem:$0x3FB3]  }
0x2b: {  	s6 =	sld [smem:$0x3FB4]  }
0x2c: {  	s7 =	sld [smem:$0x3FB5]  }
0x2d: {  	s3 =	simm.s32 $0x108;
	s8 =	sld [smem:$0x3FB6]  }
0x2e: {  	s3 =	simm.s32 @!p0 $0x1082;
	s9 =	sld [smem:$0x3FB7]  }
0x2f: {  	lr =	sadd.s32 s0, s3;
	s0 =	sld [smem:$0x3FAE]  }
0x30: {  	s3 =	sld [smem:$0x3FB1]  }
0x31: {  	[smem:$0x3FBA] =	sst s10  }
0x32: {  	s10 =	sld [smem:$0x3FB8];
	_ =	sdelay $0x3  }
0x33: {  	p0 =	seq.s32 s10, $0x1;
	s10 =	sld [smem:$0x3FBA];
	_ =	sdelay $0x3  }
0x34: {  	[smem:$0x3FBA] =	sst s10  }
0x35: {  	s10 =	sld [smem:$0x3FB9];
	_ =	sdelay $0x3  }
0x36: {  	p1 =	seq.s32 s10, $0x1;
	s10 =	sld [smem:$0x3FBA];
	_ =	sdelay $0x3  }
0x37: {  	[smem:$0x3FBA] =	sst s10  }
0x38: {  	s10 =	sld [smem:$0x3FBB]  }
0x39: {  	_ = 	snop;
	(pc) =	sbr.ind lr, $3  }
0x3a: {  	_ = 	snop  }
0x3b: {  	_ = 	snop  }
0x3c: {  	p2 =	seq.s32 s10, $0x1;
	s10 =	sld [smem:$0x3FBA]  }
0x3d: {  	_ =	shalt  }
0x3e: {  	_ =	shalt  }
0x3f: {  	_ =	shalt  }
0x40: {  	_ =	shalt  }
0x41: {  	_ =	shalt  }
0x42: {  	_ =	shalt  }
0x43: {  	_ =	shalt  }
0x44: {  	_ =	shalt  }
0x45: {  	_ =	shalt  }
0x46: {  	_ =	shalt  }
0x47: {  	_ =	shalt  }
0x48: {  	_ =	shalt  }
0x49: {  	_ =	shalt  }
0x4a: {  	_ =	shalt  }
0x4b: {  	_ =	shalt  }
0x4c: {  	_ =	shalt  }
0x4d: {  	_ =	shalt  }
0x4e: {  	_ =	shalt  }
0x4f: {  	_ =	shalt  }
0x50: {  	_ =	shalt  }
0x51: {  	_ =	shalt  }
0x52: {  	_ =	shalt  }
0x53: {  	_ =	shalt  }
0x54: {  	_ =	shalt  }
0x55: {  	_ =	shalt  }
0x56: {  	_ =	shalt  }
0x57: {  	_ =	shalt  }
0x58: {  	_ =	shalt  }
0x59: {  	_ =	shalt  }
0x5a: {  	_ =	shalt  }
0x5b: {  	_ =	shalt  }
0x5c: {  	_ =	shalt  }
0x5d: {  	_ =	shalt  }
0x5e: {  	_ =	shalt  }
0x5f: {  	_ =	shalt  }
0x60: {  	_ =	shalt  }
0x61: {  	_ =	shalt  }
0x62: {  	_ =	shalt  }
0x63: {  	_ =	shalt  }
0x64: {  	_ =	shalt  }
0x65: {  	_ =	shalt  }
0x66: {  	_ =	shalt  }
0x67: {  	_ =	shalt  }
0x68: {  	_ =	shalt  }
0x69: {  	_ =	shalt  }
0x6a: {  	_ =	shalt  }
0x6b: {  	_ =	shalt  }
0x6c: {  	_ =	shalt  }
0x6d: {  	_ =	shalt  }
0x6e: {  	_ =	shalt  }
0x6f: {  	_ =	shalt  }
0x70: {  	_ =	shalt  }
0x71: {  	_ =	shalt  }
0x72: {  	_ =	shalt  }
0x73: {  	_ =	shalt  }
0x74: {  	_ =	shalt  }
0x75: {  	_ =	shalt  }
0x76: {  	_ =	shalt  }
0x77: {  	_ =	shalt  }
0x78: {  	_ =	shalt  }
0x79: {  	_ =	shalt  }
0x7a: {  	_ =	shalt  }
0x7b: {  	_ =	shalt  }
0x7c: {  	_ =	shalt  }
0x7d: {  	_ =	shalt  }
0x7e: {  	_ =	shalt  }
0x7f: {  	_ =	shalt  }
0x80: {  	_ =	shalt  }
0x81: {  	_ =	shalt  }
0x82: {  	_ =	shalt  }
0x83: {  	_ =	shalt  }
0x84: {  	_ =	shalt  }
0x85: {  	_ =	shalt  }
0x86: {  	_ =	shalt  }
0x87: {  	_ =	shalt  }
.Lfunc_end0:
.L_simem_size_0:
called_computation_lowered:
.L_overlay_start_0:
0x88: {  	s2 =	sld [smem:$0x3FD9]  }
0x89: {  	s3 =	sld [smem:$0x3FFE];
	_ =	sdelay $0x1  }
0x8a: {  	s1 =	srdreg.scid  }
0x8b: {  	s0 =	sand.u32 $0x1, s1  }
0x8c: {  	s14 =	sshll.u32 s0, $0xA;
	s2 =	sadd.s32 s3, s2  }
0x8d: {  	s2 =	sadd.s32 s2, s14  }
0x8e: {  	[smem:$0x3FC6] =	sst s2  }
0x8f: {  	_ = 	snop  }
0x90: {  	s2 =	sld [smem:$0x3FD0];
	_ =	sdelay $0x2  }
0x91: {  	s15 =	simm.s32 $0xA;
	s4 =	simm.s32 $0x10  }
0x92: {  	[smem:s4], [sflag:s15] =	dma.local [hbm:s2], $0x1  }
0x93: {  	_ =	swait.eq [sflag:s15], $0x1  }
0x94: {  	[sflag:s15] =	ssyncset.done $0x0  }
0x95: {  	s16 =	sld [smem:$0x10];
	[sflag:s15] =	ssyncadd.s32 $0xFFFFFFFF  }
0x96: {  	s17 =	sld [smem:$0x12];
	(tm) =	ssettm $0x1  }
0x97: {  	s18 =	sld [smem:$0x3FFB];
	_ =	sdelay $0x3  }
0x98: {  	_ =	strace s18  }
0x99: {  	s4 =	sld [smem:$0x3FFC];
	_ =	sdelay $0x3  }
0x9a: {  	_ =	strace s4  }
0x9b: {  	s4 =	sld [smem:$0x3FFD];
	_ =	sdelay $0x3  }
0x9c: {  	_ =	strace s4  }
0x9d: {  	_ =	strace $0x8FFFFFFF  }
0x9e: {  	s19 =	sld [smem:$0x3FDB];
	_ =	sdelay $0x1  }
0x9f: {  	s5 =	simm.s32 $_scs_section_size  }
0xa0: {  	s6 =	simm.s32 $_size__tile_overlayer_lowered;
	s7 =	simm.s32 $_tile_overlayer_lowered  }
0xa1: {  	s22 =	simm.s32 $0x1BFF;
	s21 =	sshll.u32 s7, $0x1;
	s4 =	sadd.s32 s5, s19  }
0xa2: {  	s8 =	simm.s32 $0x0;
	s20 =	sshll.u32 s6, $0x1;
	s6 =	sadd.s32 s21, s4  }
0xa3: {  	[timem:s8], [sflag:s22] =	dma.local [hbm:s6], s20  }
0xa4: {  	_ =	swait.ge [sflag:s22], s20  }
0xa5: {  	s5 =	ssub.s32 $0x0, s20;
	[sflag:s22] =	ssyncset.done $0x0  }
0xa6: {  	[sflag:s22] =	ssyncadd.s32 s5;
	_ =	sdelay $0x1  }
0xa7: {  	s23 =	simm.s32 $0x1B8B  }
0xa8: {  	_ =	swait.ge [sflag:s23], $0x1  }
0xa9: {  	[sflag:s23] =	ssyncset.done $0x0  }
0xaa: {  	s25 =	simm.s32 $0x1B8E;
	s24 =	sld [smem:$0x3FFE];
	[sflag:s23] =	ssyncadd.s32 $0xFFFFFFFF  }
0xab: {  	s26 =	simm.s32 $execute0_lowered;
	[smem:$0x3FD2] =	sst s25  }
0xac: {  	s6 =	sshll.u32 s26, $0x1;
	_ =	strace $0x80000046;
	[dreg:$0x1] =	wrdreg $0xFFFFFFFF  }
0xad: {  	s28 =	simm.s32 $_size_execute0_lowered;
	s4 =	sadd.s32 s4, s6;
	[dreg:$0x0] =	wrdreg $0x0  }
0xae: {  	s6 =	sshll.u32 s28, $0x1;
	[dreg:$0x2] =	wrdreg s4  }
0xaf: {  	[dreg:$0x3] =	wrdreg s6  }
0xb0: {  	[dreg:$0x4] =	wrdreg $0xC0  }
0xb1: {  	_ =	task [dreg:s8], $0x5FFFF  }
0xb2: {  	[dreg:$0x1] =	wrdreg $0xFFFFFFFF  }
0xb3: {  	[dreg:$0x0] =	wrdreg $0x60  }
0xb4: {  	[dreg:$0x2] =	wrdreg s24  }
0xb5: {  	[dreg:$0x3] =	wrdreg s17  }
0xb6: {  	[dreg:$0x4] =	wrdreg s16  }
0xb7: {  	[dreg:$0x5] =	wrdreg $0x9  }
0xb8: {  	_ =	task.clear_ibuf [dreg:s8], $0x6FFFF;
	_ =	strace $0x90000046  }
0xb9: {  	s29 =	simm.s32 $0x9;
	_ =	strace $0x80000048  }
0xba: {  	_ =	swait.ge [sflag:s29], $0x1  }
0xbb: {  	[sflag:s29] =	ssyncadd.s32 $0xFFFFFFFF  }
0xbc: {  	_ =	strace $0x90000048  }
0xbd: {  	_ =	sfence  }
0xbe: {  	s30 =	sld [smem:$0x0];
	_ =	sdelay $0x2  }
0xbf: {  	s31 =	sshll.u32 s1, $0xD;
	s1 =	sshrl.u32 s1, $0x2  }
0xc0: {  	s3 =	sand.u32 $0x4000, s31;
	s1 =	sadd.s32 s1, s30  }
0xc1: {  	s0 =	sor.u32 s3, s0;
	s1 =	sshll.u32 s1, $0x11  }
0xc2: {  	s0 =	sor.u32 s1, s0  }
0xc3: {  	s0 =	sadd.s32 $0x8F2B, s0  }
0xc4: {  	[sflag:s0] =	ssyncadd.remote.s32 $0x1  }
0xc5: {  	_ =	sfence.sel $0xFFFF  }
0xc6: {  	[dreg:$0x0] =	wrdreg $0xFFFFFFFF;
	(pc) =	sbr.abs _section_cstart, $3  }
0xc7: {  	[dreg:$0x1] =	wrdreg $0xFFFFFFFF  }
0xc8: {  	_ =	task.clear_ibuf [dreg:s8], $0x2FFFF;
	_ =	strace $0x9FFFFFFF  }
0xc9: {  	(tm) =	ssettm $0x7FFFFFFF  }
tec
execute0_lowered:
.L_overlay_start_1:
0x0: {  	(tag) =	ssettag $0x1  }
0x1: {  	s2 =	rddreg [dreg:$0x0]  }
0x2: {  	s4 =	rddreg [dreg:$0x1]  }
0x3: {  	s1 =	srdreg.scid;
	s0 =	stileid.u32  }
0x4: {  	s10 =	rddreg [dreg:$0x2];
	s11 =	sand.u32 $0x1, s1;
	s5 =	sshll.u32 s0, $0x1  }
0x5: {  	s3 =	simm.s32 $0x0;
	s1 =	rddreg [dreg:$0x3];
	s12 =	sor.u32 s11, s5  }
0x6: {  	[smem:$0x7FF] =	sst s3;
	s5 =	sshll.u32 s12, $0x5  }
0x7: {  	_ =	strace $0x80000047;
	s5 =	sadd.s32 s4, s5;
	s4 =	simm.s32 $0x2  }
0x8: {  	[tilespmem:s3], [sflag:$0x2] =	stream.linear.gather [hbm4b:s5+s3], $0x100, $0x38;
	[tilespmem:$0x8100] =	vst v63  }
0x9: {  	_ =	swait.ge [sflag:s4], $0x100  }
0xa: {  	[sflag:s4] =	ssyncset.done $0x0  }
0xb: {  	s6 =	simm.s32 $0x80;
	s7 =	simm.s32 $0x100;
	[sflag:s4] =	ssyncadd.s32 $0xFFFFFF00  }
0xc: {  	[tilespmem:s7], [sflag:$0x1] =	stream.indirect.gather [hbm4b:s2+s6], $0x80, s3, s6, $0xb8;
	[tilespmem:$0x8100] =	vst v63  }
0xd: {  	s8 =	simm.s32 $0x4100;
	s9 =	simm.s32 $0x1;
	s11 =	ssub.s32 $0x2, s11  }
0xe: {  	[tilespmem:s8], [sflag:$0x1] =	stream.indirect.gather [hbm4b:s2+s6], $0x80, s6, s6, $0xb8;
	[tilespmem:$0x8100] =	vst v63  }
0xf: {  	s13 =	sshrl.u32 s11, $0x1;
	_ =	swait.ge [sflag:s9], $0x4000  }
0x10: {  	s11 =	ssub.s32 s11, s13;
	[sflag:s9] =	ssyncset.done $0x0  }
0x11: {  	s11 =	smax.u32 s11, $0x1;
	[sflag:s9] =	ssyncadd.s32 $0xFFFFC000  }
0x12: {  	p0 =	sne.s32 s11, $0x1;
	_ =	swait.ge [sflag:s9], $0x4000  }
.Ltmp0:
0x13: {  	s12 =	sshll.u32 s12, $0xC;
	[sflag:s9] =	ssyncset.done $0x0;
	(pc) =	sbr.rel @!p0 .LBB2_2-.Ltmp0, $4  }
0x14: {  	s10 =	sadd.s32 s10, s12;
	[sflag:s9] =	ssyncadd.s32 $0xFFFFC000  }
0x15: {  	[hbm4b:s10+s3] =	stream.linear.scatter [tilespmem:s7], [sflag:$0x2], $0x8000, $0x38;
	[tilespmem:$0x8100] =	vst v63  }
0x16: {  	_ =	swait.ge [sflag:s4], $0x8000  }
0x17: {  	s11 =	sadd.s32 $0xFFFFFFFF, s11;
	[sflag:s4] =	ssyncset.done $0x0  }
.LBB2_1:
0x18: {  	p0 =	sne.s32 s11, $0x1;
	s11 =	sadd.s32 $0xFFFFFFFF, s11;
	[sflag:s4] =	ssyncadd.s32 $0xFFFF8000  }
0x19: {  	[tilespmem:s3], [sflag:$0x2] =	stream.linear.gather [hbm4b:s5+s3], $0x100, $0x38;
	[tilespmem:$0x8100] =	vst v63  }
0x1a: {  	_ =	swait.ge [sflag:s4], $0x100  }
0x1b: {  	[sflag:s4] =	ssyncset.done $0x0  }
0x1c: {  	[sflag:s4] =	ssyncadd.s32 $0xFFFFFF00  }
0x1d: {  	[tilespmem:s7], [sflag:$0x1] =	stream.indirect.gather [hbm4b:s2+s6], $0x80, s3, s6, $0xb8;
	[tilespmem:$0x8100] =	vst v63  }
0x1e: {  	_ = 	snop  }
0x1f: {  	[tilespmem:s8], [sflag:$0x1] =	stream.indirect.gather [hbm4b:s2+s6], $0x80, s6, s6, $0xb8;
	[tilespmem:$0x8100] =	vst v63  }
0x20: {  	_ =	swait.ge [sflag:s9], $0x4000  }
0x21: {  	[sflag:s9] =	ssyncset.done $0x0  }
0x22: {  	[sflag:s9] =	ssyncadd.s32 $0xFFFFC000  }
0x23: {  	_ =	swait.ge [sflag:s9], $0x4000  }
.Ltmp1:
0x24: {  	[sflag:s9] =	ssyncset.done $0x0;
	(pc) =	sbr.rel @p0 .LBB2_1-.Ltmp1, $4  }
0x25: {  	[sflag:s9] =	ssyncadd.s32 $0xFFFFC000  }
0x26: {  	[hbm4b:s10+s3] =	stream.linear.scatter [tilespmem:s7], [sflag:$0x2], $0x8000, $0x38;
	[tilespmem:$0x8100] =	vst v63  }
0x27: {  	_ =	swait.ge [sflag:s4], $0x8000  }
0x28: {  	[sflag:s4] =	ssyncset.done $0x0  }
.LBB2_2:
0x29: {  	[sflag:s4] =	ssyncadd.s32 $0xFFFF8000  }
0x2a: {  	_ =	sfence.sel $0x180000  }
0x2b: {  	[bflag:$0x0] =	sbarrier.arrive $0xFFFF  }
0x2c: {  	p0 =	sne.s32 s0, $0x0;
	_ =	strace $0x90000047  }
0x2d: {  	s0 =	sadd.s32 @!p0 $0x100000, s1;
	[bflag:$0x2] =	sbarrier.arrive $0xFFFF  }
0x2e: {  	[sflag:s0] =	ssyncadd.tile.s32 @!p0 $0x1;
	_ =	shalt  }
.Lfunc_end2:
_tile_overlayer_lowered:
.L_overlay_start_2:
0x2f: {  	(tag) =	ssettag $0x2  }
0x30: {  	s0 =	rddreg [dreg:$0x0];
	s2 =	stileid.u32  }
0x31: {  	s1 =	rddreg [dreg:$0x1];
	p0 =	sne.s32 s2, $0x0  }
0x32: {  	s3 =	rddreg [dreg:$0x2];
	[bflag:$0x3] =	sbarrier.arrive $0xFFFF;
	s2 =	simm.s32 @!p0 $0x1C02  }
0x33: {  	[timem:s3], [sflag:s2] =	dma.local @!p0 [hbm:s0], s1  }
0x34: {  	s0 =	simm.s32 @!p0 $0x2  }
0x35: {  	_ =	swait.ge @!p0 [sflag:s0], s1  }
0x36: {  	s1 =	ssub.s32 @!p0 $0x0, s1;
	[sflag:s0] =	ssyncset.done @!p0 $0x0  }
0x37: {  	[sflag:s0] =	ssyncadd.s32 @!p0 s1  }
0x38: {  	[bflag:$0x3] =	sbarrier.arrive $0xFFFF  }
0x39: {  	_ =	shalt  }

</sc_bundles>
